<compile_context>
chip_gen: v7x
topology: tpu7x:2x2x1
jax: 0.10.2.dev20260603
libtpu: 0.0.44.dev20260713+nightly
codegen_flags: <defaults>
</compile_context>

<pallas_src>
import functools

import numpy as np
import jax
import jax.numpy as jnp
from jax import lax
from jax.experimental import pallas as pl
from jax.experimental.pallas import tpu as pltpu
from jax.experimental.pallas import tpu_sc as plsc


def _sinusoidal_pe_np(seq_len: int, d: int) -> np.ndarray:
    pos = np.arange(seq_len, dtype=np.float32)[:, None]
    i = np.arange(d // 2, dtype=np.float32)[None, :]
    angle_rates = np.power(np.float32(10000.0), -(2.0 * i) / np.float32(d))
    angles = pos * angle_rates
    pe = np.zeros((seq_len, d), dtype=np.float32)
    pe[:, 0::2] = np.sin(angles)
    pe[:, 1::2] = np.cos(angles)
    return pe


@functools.lru_cache(maxsize=None)
def _build_sc_embed(B: int, S: int, V: int, D: int):
    info = plsc.get_sparse_core_info()
    NC, NS = info.num_cores, info.num_subcores
    NW = NC * NS
    assert S % NW == 0
    C = S // NW
    assert C <= 128
    NCH = B

    mesh = plsc.VectorSubcoreMesh(core_axis_name="c", subcore_axis_name="s")

    @functools.partial(
        pl.kernel,
        mesh=mesh,
        out_type=jax.ShapeDtypeStruct((B, S, D), jnp.float32),
        scratch_types=[
            pltpu.VMEM((NCH, C), jnp.int32),
            pltpu.VMEM_SHARED((NS, C, D), jnp.float32),
            *[pltpu.VMEM((C, D), jnp.float32) for _ in range(NCH)],
            pltpu.SemaphoreType.DMA,
            pltpu.SemaphoreType.DMA,
            pltpu.SemaphoreType.DMA,
            pltpu.SemaphoreType.DMA,
            pltpu.SemaphoreType.DMA,
        ],
    )
    def emb_kernel(idx_hbm, table_hbm, pe_hbm, out_hbm, idx_v, pe_sh, *rest):
        bufs, (sem_i, sem_pe, sem_pe0, sem_g, sem_st) = rest[:NCH], rest[NCH:]
        sid = lax.axis_index("s")
        wid = sid * NC + lax.axis_index("c")
        s_lo = wid * C
        cp0 = pltpu.async_copy(pe_hbm.at[pl.ds(s_lo, C)], bufs[0], sem_pe0)
        peload = pltpu.async_copy(pe_hbm.at[pl.ds(s_lo, C)], pe_sh.at[sid], sem_pe)
        idxs = pltpu.async_copy(idx_hbm.at[:, pl.ds(s_lo, C)], idx_v, sem_i)
        peload.wait()
        cps = [cp0] + [
            pltpu.async_copy(pe_sh.at[sid], bufs[b], sem_pe) for b in range(1, NCH)
        ]
        idxs.wait()
        gats = []
        for b in range(NCH):
            cps[b].wait()
            gats.append(
                pltpu.async_copy(table_hbm.at[idx_v.at[b]], bufs[b], sem_g, add=True)
            )
        sts = []
        for b in range(NCH):
            gats[b].wait()
            sts.append(
                pltpu.async_copy(bufs[b], out_hbm.at[b, pl.ds(s_lo, C)], sem_st)
            )
        for st in sts:
            st.wait()

    def run(x, embedding, pe):
        return emb_kernel(x.astype(jnp.int32), embedding, pe)

    return run


def kernel(x, embedding):
    B, S = x.shape
    V, D = embedding.shape
    pe = jnp.asarray(_sinusoidal_pe_np(S, D))
    return _build_sc_embed(B, S, V, D)(x, embedding, pe)

# --- scband reference (transcript-rebuilt; emitter-appended) ---
"""Pipeline reference for scband-transformer-embed-54451595379287 (READ-ONLY COPY).

The authoritative reference and input builder live on the scoring server;
editing this copy changes nothing except your own understanding.
"""

import jax, jax.numpy as jnp
import numpy as np

VOCAB = 100000
EMBED_DIM = 128
BATCH = 4
SEQ = 4096


def _sinusoidal_pe(seq_len, d):
    pos = jnp.arange(seq_len, dtype=jnp.float32)[:, None]
    i = jnp.arange(d // 2, dtype=jnp.float32)[None, :]
    angle_rates = jnp.power(10000.0, -(2.0 * i) / d)
    angles = pos * angle_rates
    pe = jnp.zeros((seq_len, d), dtype=jnp.float32)
    pe = pe.at[:, 0::2].set(jnp.sin(angles))
    pe = pe.at[:, 1::2].set(jnp.cos(angles))
    return pe


def setup_inputs(seed: int = 0) -> dict:
    key = jax.random.key(seed)
    k1, k2 = jax.random.split(key)
    x = jax.random.randint(k1, (BATCH, SEQ), 0, VOCAB, dtype=jnp.int64 if jax.config.jax_enable_x64 else jnp.int32)
    embedding = jax.random.normal(k2, (VOCAB, EMBED_DIM), dtype=jnp.float32) * 0.02
    return {"x": x, "embedding": embedding}


def reference(x, embedding):
    # nn.Embed lookup
    z = jnp.take(embedding, x, axis=0)  # [B, S, D]
    # sinusoidal positional encoding (additive)
    pe = _sinusoidal_pe(z.shape[1], embedding.shape[1])
    z = z + pe[None, :, :]
    # dropout deterministic (training=False) -> identity
    return z

if __name__ == "__main__":
    import jax
    _d = setup_inputs()
    print(jax.jit(kernel)(*tuple(_d.values())))

</pallas_src>

<mosaic_0001>
#map = affine_map<(d0, d1) -> (0, 0)>
#map1 = affine_map<(d0, d1) -> (0, 0, 0)>
module attributes {stable_mosaic.version = 14 : i64} {
  func.func @emb_kernel(%arg0: i32, %arg1: i32, %arg2: memref<4x4096xi32, #tpu.memory_space<hbm>>, %arg3: memref<100000x128xf32, #tpu.memory_space<hbm>>, %arg4: memref<4096x128xf32, #tpu.memory_space<hbm>>, %arg5: memref<4x4096x128xf32, #tpu.memory_space<hbm>>, %arg6: memref<4x128xi32, #tpu.memory_space<vmem>>, %arg7: memref<16x128x128xf32, #tpu.memory_space<vmem_shared>>, %arg8: memref<128x128xf32, #tpu.memory_space<vmem>>, %arg9: memref<128x128xf32, #tpu.memory_space<vmem>>, %arg10: memref<128x128xf32, #tpu.memory_space<vmem>>, %arg11: memref<128x128xf32, #tpu.memory_space<vmem>>, %arg12: memref<!tpu.dma_semaphore, #tpu.memory_space<semaphore_mem>>, %arg13: memref<!tpu.dma_semaphore, #tpu.memory_space<semaphore_mem>>, %arg14: memref<!tpu.dma_semaphore, #tpu.memory_space<semaphore_mem>>, %arg15: memref<!tpu.dma_semaphore, #tpu.memory_space<semaphore_mem>>, %arg16: memref<!tpu.dma_semaphore, #tpu.memory_space<semaphore_mem>>) attributes {dimension_semantics = [#tpu.dimension_semantics<core_parallel>, #tpu.dimension_semantics<subcore_parallel>], iteration_bounds = array<i64: 2, 16>, scalar_prefetch = 0 : i64, scratch_operands = 11 : i64, tpu.core_type = #tpu.core_type<sc_vector_subcore>, window_params = [{transform_indices = #map}, {transform_indices = #map}, {transform_indices = #map}, {transform_indices = #map1}]} {
    %mul3A = arith.constant 2 : i32
    %mul3A_0 = arith.muli %arg1, %mul3A : i32
    %add3A = arith.addi %mul3A_0, %arg0 : i32
    %mul3A_1 = arith.constant 128 : i32
    %mul3A_2 = arith.muli %add3A, %mul3A_1 : i32
    %dma_start3A = arith.constant 0 : i32
    %dma_start3A_3 = tpu.memref_slice %arg4[%mul3A_2, %dma_start3A] : memref<4096x128xf32, #tpu.memory_space<hbm>> -> memref<128x128xf32, #tpu.memory_space<hbm>>
    %dma_start3A_4 = arith.constant 0 : i32
    %dma_start3A_5 = tpu.memref_slice %arg4[%mul3A_2, %dma_start3A_4] : memref<4096x128xf32, #tpu.memory_space<hbm>> -> memref<128x128xf32, #tpu.memory_space<hbm>>
    tpu.enqueue_dma source(%dma_start3A_5 : memref<128x128xf32, #tpu.memory_space<hbm>>) target(%arg8 : memref<128x128xf32, #tpu.memory_space<vmem>>) target_semaphore(%arg14 : memref<!tpu.dma_semaphore, #tpu.memory_space<semaphore_mem>>)
    %dma_start3A_6 = arith.constant 0 : i32
    %dma_start3A_7 = arith.constant 0 : i32
    %dma_start3A_8 = tpu.memref_slice %arg7[%arg1, %dma_start3A_6, %dma_start3A_7] : memref<16x128x128xf32, #tpu.memory_space<vmem_shared>> -> memref<1x128x128xf32, #tpu.memory_space<vmem_shared>>
    %dma_start3A_9 = tpu.memref_squeeze %dma_start3A_8 : memref<1x128x128xf32, #tpu.memory_space<vmem_shared>> -> memref<128x128xf32, #tpu.memory_space<vmem_shared>>
    %dma_start3A_10 = arith.constant 0 : i32
    %dma_start3A_11 = tpu.memref_slice %arg4[%mul3A_2, %dma_start3A_10] : memref<4096x128xf32, #tpu.memory_space<hbm>> -> memref<128x128xf32, #tpu.memory_space<hbm>>
    tpu.enqueue_dma source(%dma_start3A_11 : memref<128x128xf32, #tpu.memory_space<hbm>>) target(%dma_start3A_9 : memref<128x128xf32, #tpu.memory_space<vmem_shared>>) target_semaphore(%arg13 : memref<!tpu.dma_semaphore, #tpu.memory_space<semaphore_mem>>)
    %dma_start3A_12 = arith.constant 0 : i32
    %dma_start3A_13 = tpu.memref_slice %arg2[%dma_start3A_12, %mul3A_2] : memref<4x4096xi32, #tpu.memory_space<hbm>> -> memref<4x128xi32, #tpu.memory_space<hbm>>
    %dma_start3A_14 = arith.constant 0 : i32
    %dma_start3A_15 = tpu.memref_slice %arg2[%dma_start3A_14, %mul3A_2] : memref<4x4096xi32, #tpu.memory_space<hbm>> -> memref<4x128xi32, #tpu.memory_space<hbm>>
    tpu.enqueue_dma source(%dma_start3A_15 : memref<4x128xi32, #tpu.memory_space<hbm>>) target(%arg6 : memref<4x128xi32, #tpu.memory_space<vmem>>) target_semaphore(%arg12 : memref<!tpu.dma_semaphore, #tpu.memory_space<semaphore_mem>>)
    %dma_wait3A = arith.constant 0 : i32
    %dma_wait3A_16 = arith.constant 0 : i32
    %dma_wait3A_17 = tpu.memref_slice %arg7[%arg1, %dma_wait3A, %dma_wait3A_16] : memref<16x128x128xf32, #tpu.memory_space<vmem_shared>> -> memref<1x128x128xf32, #tpu.memory_space<vmem_shared>>
    %dma_wait3A_18 = tpu.memref_squeeze %dma_wait3A_17 : memref<1x128x128xf32, #tpu.memory_space<vmem_shared>> -> memref<128x128xf32, #tpu.memory_space<vmem_shared>>
    %dma_wait3A_19 = arith.constant 0 : i32
    %dma_wait3A_20 = tpu.memref_slice %arg4[%mul3A_2, %dma_wait3A_19] : memref<4096x128xf32, #tpu.memory_space<hbm>> -> memref<128x128xf32, #tpu.memory_space<hbm>>
    tpu.wait_dma2 semaphore(%arg13 : memref<!tpu.dma_semaphore, #tpu.memory_space<semaphore_mem>>) src(%dma_wait3A_20 : memref<128x128xf32, #tpu.memory_space<hbm>>) dst(%dma_wait3A_18 : memref<128x128xf32, #tpu.memory_space<vmem_shared>>)
    %dma_start3A_21 = arith.constant 0 : i32
    %dma_start3A_22 = arith.constant 0 : i32
    %dma_start3A_23 = tpu.memref_slice %arg7[%arg1, %dma_start3A_21, %dma_start3A_22] : memref<16x128x128xf32, #tpu.memory_space<vmem_shared>> -> memref<1x128x128xf32, #tpu.memory_space<vmem_shared>>
    %dma_start3A_24 = tpu.memref_squeeze %dma_start3A_23 : memref<1x128x128xf32, #tpu.memory_space<vmem_shared>> -> memref<128x128xf32, #tpu.memory_space<vmem_shared>>
    %dma_start3A_25 = arith.constant 0 : i32
    %dma_start3A_26 = arith.constant 0 : i32
    %dma_start3A_27 = tpu.memref_slice %arg7[%arg1, %dma_start3A_25, %dma_start3A_26] : memref<16x128x128xf32, #tpu.memory_space<vmem_shared>> -> memref<1x128x128xf32, #tpu.memory_space<vmem_shared>>
    %dma_start3A_28 = tpu.memref_squeeze %dma_start3A_27 : memref<1x128x128xf32, #tpu.memory_space<vmem_shared>> -> memref<128x128xf32, #tpu.memory_space<vmem_shared>>
    tpu.enqueue_dma source(%dma_start3A_28 : memref<128x128xf32, #tpu.memory_space<vmem_shared>>) target(%arg9 : memref<128x128xf32, #tpu.memory_space<vmem>>) target_semaphore(%arg13 : memref<!tpu.dma_semaphore, #tpu.memory_space<semaphore_mem>>)
    %dma_start3A_29 = arith.constant 0 : i32
    %dma_start3A_30 = arith.constant 0 : i32
    %dma_start3A_31 = tpu.memref_slice %arg7[%arg1, %dma_start3A_29, %dma_start3A_30] : memref<16x128x128xf32, #tpu.memory_space<vmem_shared>> -> memref<1x128x128xf32, #tpu.memory_space<vmem_shared>>
    %dma_start3A_32 = tpu.memref_squeeze %dma_start3A_31 : memref<1x128x128xf32, #tpu.memory_space<vmem_shared>> -> memref<128x128xf32, #tpu.memory_space<vmem_shared>>
    %dma_start3A_33 = arith.constant 0 : i32
    %dma_start3A_34 = arith.constant 0 : i32
    %dma_start3A_35 = tpu.memref_slice %arg7[%arg1, %dma_start3A_33, %dma_start3A_34] : memref<16x128x128xf32, #tpu.memory_space<vmem_shared>> -> memref<1x128x128xf32, #tpu.memory_space<vmem_shared>>
    %dma_start3A_36 = tpu.memref_squeeze %dma_start3A_35 : memref<1x128x128xf32, #tpu.memory_space<vmem_shared>> -> memref<128x128xf32, #tpu.memory_space<vmem_shared>>
    tpu.enqueue_dma source(%dma_start3A_36 : memref<128x128xf32, #tpu.memory_space<vmem_shared>>) target(%arg10 : memref<128x128xf32, #tpu.memory_space<vmem>>) target_semaphore(%arg13 : memref<!tpu.dma_semaphore, #tpu.memory_space<semaphore_mem>>)
    %dma_start3A_37 = arith.constant 0 : i32
    %dma_start3A_38 = arith.constant 0 : i32
    %dma_start3A_39 = tpu.memref_slice %arg7[%arg1, %dma_start3A_37, %dma_start3A_38] : memref<16x128x128xf32, #tpu.memory_space<vmem_shared>> -> memref<1x128x128xf32, #tpu.memory_space<vmem_shared>>
    %dma_start3A_40 = tpu.memref_squeeze %dma_start3A_39 : memref<1x128x128xf32, #tpu.memory_space<vmem_shared>> -> memref<128x128xf32, #tpu.memory_space<vmem_shared>>
    %dma_start3A_41 = arith.constant 0 : i32
    %dma_start3A_42 = arith.constant 0 : i32
    %dma_start3A_43 = tpu.memref_slice %arg7[%arg1, %dma_start3A_41, %dma_start3A_42] : memref<16x128x128xf32, #tpu.memory_space<vmem_shared>> -> memref<1x128x128xf32, #tpu.memory_space<vmem_shared>>
    %dma_start3A_44 = tpu.memref_squeeze %dma_start3A_43 : memref<1x128x128xf32, #tpu.memory_space<vmem_shared>> -> memref<128x128xf32, #tpu.memory_space<vmem_shared>>
    tpu.enqueue_dma source(%dma_start3A_44 : memref<128x128xf32, #tpu.memory_space<vmem_shared>>) target(%arg11 : memref<128x128xf32, #tpu.memory_space<vmem>>) target_semaphore(%arg13 : memref<!tpu.dma_semaphore, #tpu.memory_space<semaphore_mem>>)
    %dma_wait3A_45 = arith.constant 0 : i32
    %dma_wait3A_46 = tpu.memref_slice %arg2[%dma_wait3A_45, %mul3A_2] : memref<4x4096xi32, #tpu.memory_space<hbm>> -> memref<4x128xi32, #tpu.memory_space<hbm>>
    %dma_wait3A_47 = arith.constant 0 : i32
    %dma_wait3A_48 = tpu.memref_slice %arg2[%dma_wait3A_47, %mul3A_2] : memref<4x4096xi32, #tpu.memory_space<hbm>> -> memref<4x128xi32, #tpu.memory_space<hbm>>
    tpu.wait_dma2 semaphore(%arg12 : memref<!tpu.dma_semaphore, #tpu.memory_space<semaphore_mem>>) src(%dma_wait3A_48 : memref<4x128xi32, #tpu.memory_space<hbm>>) dst(%arg6 : memref<4x128xi32, #tpu.memory_space<vmem>>)
    %dma_wait3A_49 = arith.constant 0 : i32
    %dma_wait3A_50 = tpu.memref_slice %arg4[%mul3A_2, %dma_wait3A_49] : memref<4096x128xf32, #tpu.memory_space<hbm>> -> memref<128x128xf32, #tpu.memory_space<hbm>>
    %dma_wait3A_51 = arith.constant 0 : i32
    %dma_wait3A_52 = tpu.memref_slice %arg4[%mul3A_2, %dma_wait3A_51] : memref<4096x128xf32, #tpu.memory_space<hbm>> -> memref<128x128xf32, #tpu.memory_space<hbm>>
    tpu.wait_dma2 semaphore(%arg14 : memref<!tpu.dma_semaphore, #tpu.memory_space<semaphore_mem>>) src(%dma_wait3A_52 : memref<128x128xf32, #tpu.memory_space<hbm>>) dst(%arg8 : memref<128x128xf32, #tpu.memory_space<vmem>>)
    %dma_start3A_53 = arith.constant 0 : i32
    %dma_start3A_54 = arith.constant 0 : i32
    %dma_start3A_55 = tpu.memref_slice %arg6[%dma_start3A_53, %dma_start3A_54] : memref<4x128xi32, #tpu.memory_space<vmem>> -> memref<1x128xi32, #tpu.memory_space<vmem>>
    %dma_start3A_56 = tpu.memref_squeeze %dma_start3A_55 : memref<1x128xi32, #tpu.memory_space<vmem>> -> memref<128xi32, #tpu.memory_space<vmem>>
    %dma_start3A_57 = arith.constant 0 : i32
    %dma_start3A_58 = arith.constant 0 : i32
    %dma_start3A_59 = tpu.memref_slice %arg3[%dma_start3A_57, %dma_start3A_58] : memref<100000x128xf32, #tpu.memory_space<hbm>> -> memref<100000x128xf32, #tpu.memory_space<hbm>>
    tpu.enqueue_indirect_dma source(%dma_start3A_59 : memref<100000x128xf32, #tpu.memory_space<hbm>>) target(%arg8 : memref<128x128xf32, #tpu.memory_space<vmem>>) offsets(%dma_start3A_56 : memref<128xi32, #tpu.memory_space<vmem>>) semaphore(%arg15 : memref<!tpu.dma_semaphore, #tpu.memory_space<semaphore_mem>>) {add = true}
    %dma_wait3A_60 = arith.constant 0 : i32
    %dma_wait3A_61 = arith.constant 0 : i32
    %dma_wait3A_62 = tpu.memref_slice %arg7[%arg1, %dma_wait3A_60, %dma_wait3A_61] : memref<16x128x128xf32, #tpu.memory_space<vmem_shared>> -> memref<1x128x128xf32, #tpu.memory_space<vmem_shared>>
    %dma_wait3A_63 = tpu.memref_squeeze %dma_wait3A_62 : memref<1x128x128xf32, #tpu.memory_space<vmem_shared>> -> memref<128x128xf32, #tpu.memory_space<vmem_shared>>
    %dma_wait3A_64 = arith.constant 0 : i32
    %dma_wait3A_65 = arith.constant 0 : i32
    %dma_wait3A_66 = tpu.memref_slice %arg7[%arg1, %dma_wait3A_64, %dma_wait3A_65] : memref<16x128x128xf32, #tpu.memory_space<vmem_shared>> -> memref<1x128x128xf32, #tpu.memory_space<vmem_shared>>
    %dma_wait3A_67 = tpu.memref_squeeze %dma_wait3A_66 : memref<1x128x128xf32, #tpu.memory_space<vmem_shared>> -> memref<128x128xf32, #tpu.memory_space<vmem_shared>>
    tpu.wait_dma2 semaphore(%arg13 : memref<!tpu.dma_semaphore, #tpu.memory_space<semaphore_mem>>) src(%dma_wait3A_67 : memref<128x128xf32, #tpu.memory_space<vmem_shared>>) dst(%arg9 : memref<128x128xf32, #tpu.memory_space<vmem>>)
    %dma_start3A_68 = arith.constant 1 : i32
    %dma_start3A_69 = arith.constant 0 : i32
    %dma_start3A_70 = tpu.memref_slice %arg6[%dma_start3A_68, %dma_start3A_69] : memref<4x128xi32, #tpu.memory_space<vmem>> -> memref<1x128xi32, #tpu.memory_space<vmem>>
    %dma_start3A_71 = tpu.memref_squeeze %dma_start3A_70 : memref<1x128xi32, #tpu.memory_space<vmem>> -> memref<128xi32, #tpu.memory_space<vmem>>
    %dma_start3A_72 = arith.constant 0 : i32
    %dma_start3A_73 = arith.constant 0 : i32
    %dma_start3A_74 = tpu.memref_slice %arg3[%dma_start3A_72, %dma_start3A_73] : memref<100000x128xf32, #tpu.memory_space<hbm>> -> memref<100000x128xf32, #tpu.memory_space<hbm>>
    tpu.enqueue_indirect_dma source(%dma_start3A_74 : memref<100000x128xf32, #tpu.memory_space<hbm>>) target(%arg9 : memref<128x128xf32, #tpu.memory_space<vmem>>) offsets(%dma_start3A_71 : memref<128xi32, #tpu.memory_space<vmem>>) semaphore(%arg15 : memref<!tpu.dma_semaphore, #tpu.memory_space<semaphore_mem>>) {add = true}
    %dma_wait3A_75 = arith.constant 0 : i32
    %dma_wait3A_76 = arith.constant 0 : i32
    %dma_wait3A_77 = tpu.memref_slice %arg7[%arg1, %dma_wait3A_75, %dma_wait3A_76] : memref<16x128x128xf32, #tpu.memory_space<vmem_shared>> -> memref<1x128x128xf32, #tpu.memory_space<vmem_shared>>
    %dma_wait3A_78 = tpu.memref_squeeze %dma_wait3A_77 : memref<1x128x128xf32, #tpu.memory_space<vmem_shared>> -> memref<128x128xf32, #tpu.memory_space<vmem_shared>>
    %dma_wait3A_79 = arith.constant 0 : i32
    %dma_wait3A_80 = arith.constant 0 : i32
    %dma_wait3A_81 = tpu.memref_slice %arg7[%arg1, %dma_wait3A_79, %dma_wait3A_80] : memref<16x128x128xf32, #tpu.memory_space<vmem_shared>> -> memref<1x128x128xf32, #tpu.memory_space<vmem_shared>>
    %dma_wait3A_82 = tpu.memref_squeeze %dma_wait3A_81 : memref<1x128x128xf32, #tpu.memory_space<vmem_shared>> -> memref<128x128xf32, #tpu.memory_space<vmem_shared>>
    tpu.wait_dma2 semaphore(%arg13 : memref<!tpu.dma_semaphore, #tpu.memory_space<semaphore_mem>>) src(%dma_wait3A_82 : memref<128x128xf32, #tpu.memory_space<vmem_shared>>) dst(%arg10 : memref<128x128xf32, #tpu.memory_space<vmem>>)
    %dma_start3A_83 = arith.constant 2 : i32
    %dma_start3A_84 = arith.constant 0 : i32
    %dma_start3A_85 = tpu.memref_slice %arg6[%dma_start3A_83, %dma_start3A_84] : memref<4x128xi32, #tpu.memory_space<vmem>> -> memref<1x128xi32, #tpu.memory_space<vmem>>
    %dma_start3A_86 = tpu.memref_squeeze %dma_start3A_85 : memref<1x128xi32, #tpu.memory_space<vmem>> -> memref<128xi32, #tpu.memory_space<vmem>>
    %dma_start3A_87 = arith.constant 0 : i32
    %dma_start3A_88 = arith.constant 0 : i32
    %dma_start3A_89 = tpu.memref_slice %arg3[%dma_start3A_87, %dma_start3A_88] : memref<100000x128xf32, #tpu.memory_space<hbm>> -> memref<100000x128xf32, #tpu.memory_space<hbm>>
    tpu.enqueue_indirect_dma source(%dma_start3A_89 : memref<100000x128xf32, #tpu.memory_space<hbm>>) target(%arg10 : memref<128x128xf32, #tpu.memory_space<vmem>>) offsets(%dma_start3A_86 : memref<128xi32, #tpu.memory_space<vmem>>) semaphore(%arg15 : memref<!tpu.dma_semaphore, #tpu.memory_space<semaphore_mem>>) {add = true}
    %dma_wait3A_90 = arith.constant 0 : i32
    %dma_wait3A_91 = arith.constant 0 : i32
    %dma_wait3A_92 = tpu.memref_slice %arg7[%arg1, %dma_wait3A_90, %dma_wait3A_91] : memref<16x128x128xf32, #tpu.memory_space<vmem_shared>> -> memref<1x128x128xf32, #tpu.memory_space<vmem_shared>>
    %dma_wait3A_93 = tpu.memref_squeeze %dma_wait3A_92 : memref<1x128x128xf32, #tpu.memory_space<vmem_shared>> -> memref<128x128xf32, #tpu.memory_space<vmem_shared>>
    %dma_wait3A_94 = arith.constant 0 : i32
    %dma_wait3A_95 = arith.constant 0 : i32
    %dma_wait3A_96 = tpu.memref_slice %arg7[%arg1, %dma_wait3A_94, %dma_wait3A_95] : memref<16x128x128xf32, #tpu.memory_space<vmem_shared>> -> memref<1x128x128xf32, #tpu.memory_space<vmem_shared>>
    %dma_wait3A_97 = tpu.memref_squeeze %dma_wait3A_96 : memref<1x128x128xf32, #tpu.memory_space<vmem_shared>> -> memref<128x128xf32, #tpu.memory_space<vmem_shared>>
    tpu.wait_dma2 semaphore(%arg13 : memref<!tpu.dma_semaphore, #tpu.memory_space<semaphore_mem>>) src(%dma_wait3A_97 : memref<128x128xf32, #tpu.memory_space<vmem_shared>>) dst(%arg11 : memref<128x128xf32, #tpu.memory_space<vmem>>)
    %dma_start3A_98 = arith.constant 3 : i32
    %dma_start3A_99 = arith.constant 0 : i32
    %dma_start3A_100 = tpu.memref_slice %arg6[%dma_start3A_98, %dma_start3A_99] : memref<4x128xi32, #tpu.memory_space<vmem>> -> memref<1x128xi32, #tpu.memory_space<vmem>>
    %dma_start3A_101 = tpu.memref_squeeze %dma_start3A_100 : memref<1x128xi32, #tpu.memory_space<vmem>> -> memref<128xi32, #tpu.memory_space<vmem>>
    %dma_start3A_102 = arith.constant 0 : i32
    %dma_start3A_103 = arith.constant 0 : i32
    %dma_start3A_104 = tpu.memref_slice %arg3[%dma_start3A_102, %dma_start3A_103] : memref<100000x128xf32, #tpu.memory_space<hbm>> -> memref<100000x128xf32, #tpu.memory_space<hbm>>
    tpu.enqueue_indirect_dma source(%dma_start3A_104 : memref<100000x128xf32, #tpu.memory_space<hbm>>) target(%arg11 : memref<128x128xf32, #tpu.memory_space<vmem>>) offsets(%dma_start3A_101 : memref<128xi32, #tpu.memory_space<vmem>>) semaphore(%arg15 : memref<!tpu.dma_semaphore, #tpu.memory_space<semaphore_mem>>) {add = true}
    %dma_wait3A_105 = arith.constant 0 : i32
    %dma_wait3A_106 = arith.constant 0 : i32
    %dma_wait3A_107 = tpu.memref_slice %arg6[%dma_wait3A_105, %dma_wait3A_106] : memref<4x128xi32, #tpu.memory_space<vmem>> -> memref<1x128xi32, #tpu.memory_space<vmem>>
    %dma_wait3A_108 = tpu.memref_squeeze %dma_wait3A_107 : memref<1x128xi32, #tpu.memory_space<vmem>> -> memref<128xi32, #tpu.memory_space<vmem>>
    %dma_wait3A_109 = arith.constant 0 : i32
    %dma_wait3A_110 = arith.constant 0 : i32
    %dma_wait3A_111 = tpu.memref_slice %arg3[%dma_wait3A_109, %dma_wait3A_110] : memref<100000x128xf32, #tpu.memory_space<hbm>> -> memref<100000x128xf32, #tpu.memory_space<hbm>>
    tpu.wait_indirect_dma semaphore(%arg15 : memref<!tpu.dma_semaphore, #tpu.memory_space<semaphore_mem>>) src(%dma_wait3A_111 : memref<100000x128xf32, #tpu.memory_space<hbm>>) dst(%arg8 : memref<128x128xf32, #tpu.memory_space<vmem>>)
    %dma_start3A_112 = arith.constant 0 : i32
    %dma_start3A_113 = arith.constant 0 : i32
    %dma_start3A_114 = tpu.memref_slice %arg5[%dma_start3A_112, %mul3A_2, %dma_start3A_113] : memref<4x4096x128xf32, #tpu.memory_space<hbm>> -> memref<1x128x128xf32, #tpu.memory_space<hbm>>
    %dma_start3A_115 = tpu.memref_squeeze %dma_start3A_114 : memref<1x128x128xf32, #tpu.memory_space<hbm>> -> memref<128x128xf32, #tpu.memory_space<hbm>>
    %dma_start3A_116 = arith.constant 0 : i32
    %dma_start3A_117 = tpu.memref_slice %arg5[%dma_start3A_112, %mul3A_2, %dma_start3A_116] : memref<4x4096x128xf32, #tpu.memory_space<hbm>> -> memref<1x128x128xf32, #tpu.memory_space<hbm>>
    %dma_start3A_118 = tpu.memref_squeeze %dma_start3A_117 : memref<1x128x128xf32, #tpu.memory_space<hbm>> -> memref<128x128xf32, #tpu.memory_space<hbm>>
    tpu.enqueue_dma source(%arg8 : memref<128x128xf32, #tpu.memory_space<vmem>>) target(%dma_start3A_118 : memref<128x128xf32, #tpu.memory_space<hbm>>) target_semaphore(%arg16 : memref<!tpu.dma_semaphore, #tpu.memory_space<semaphore_mem>>)
    %dma_wait3A_119 = arith.constant 1 : i32
    %dma_wait3A_120 = arith.constant 0 : i32
    %dma_wait3A_121 = tpu.memref_slice %arg6[%dma_wait3A_119, %dma_wait3A_120] : memref<4x128xi32, #tpu.memory_space<vmem>> -> memref<1x128xi32, #tpu.memory_space<vmem>>
    %dma_wait3A_122 = tpu.memref_squeeze %dma_wait3A_121 : memref<1x128xi32, #tpu.memory_space<vmem>> -> memref<128xi32, #tpu.memory_space<vmem>>
    %dma_wait3A_123 = arith.constant 0 : i32
    %dma_wait3A_124 = arith.constant 0 : i32
    %dma_wait3A_125 = tpu.memref_slice %arg3[%dma_wait3A_123, %dma_wait3A_124] : memref<100000x128xf32, #tpu.memory_space<hbm>> -> memref<100000x128xf32, #tpu.memory_space<hbm>>
    tpu.wait_indirect_dma semaphore(%arg15 : memref<!tpu.dma_semaphore, #tpu.memory_space<semaphore_mem>>) src(%dma_wait3A_125 : memref<100000x128xf32, #tpu.memory_space<hbm>>) dst(%arg9 : memref<128x128xf32, #tpu.memory_space<vmem>>)
    %dma_start3A_126 = arith.constant 1 : i32
    %dma_start3A_127 = arith.constant 0 : i32
    %dma_start3A_128 = tpu.memref_slice %arg5[%dma_start3A_126, %mul3A_2, %dma_start3A_127] : memref<4x4096x128xf32, #tpu.memory_space<hbm>> -> memref<1x128x128xf32, #tpu.memory_space<hbm>>
    %dma_start3A_129 = tpu.memref_squeeze %dma_start3A_128 : memref<1x128x128xf32, #tpu.memory_space<hbm>> -> memref<128x128xf32, #tpu.memory_space<hbm>>
    %dma_start3A_130 = arith.constant 0 : i32
    %dma_start3A_131 = tpu.memref_slice %arg5[%dma_start3A_126, %mul3A_2, %dma_start3A_130] : memref<4x4096x128xf32, #tpu.memory_space<hbm>> -> memref<1x128x128xf32, #tpu.memory_space<hbm>>
    %dma_start3A_132 = tpu.memref_squeeze %dma_start3A_131 : memref<1x128x128xf32, #tpu.memory_space<hbm>> -> memref<128x128xf32, #tpu.memory_space<hbm>>
    tpu.enqueue_dma source(%arg9 : memref<128x128xf32, #tpu.memory_space<vmem>>) target(%dma_start3A_132 : memref<128x128xf32, #tpu.memory_space<hbm>>) target_semaphore(%arg16 : memref<!tpu.dma_semaphore, #tpu.memory_space<semaphore_mem>>)
    %dma_wait3A_133 = arith.constant 2 : i32
    %dma_wait3A_134 = arith.constant 0 : i32
    %dma_wait3A_135 = tpu.memref_slice %arg6[%dma_wait3A_133, %dma_wait3A_134] : memref<4x128xi32, #tpu.memory_space<vmem>> -> memref<1x128xi32, #tpu.memory_space<vmem>>
    %dma_wait3A_136 = tpu.memref_squeeze %dma_wait3A_135 : memref<1x128xi32, #tpu.memory_space<vmem>> -> memref<128xi32, #tpu.memory_space<vmem>>
    %dma_wait3A_137 = arith.constant 0 : i32
    %dma_wait3A_138 = arith.constant 0 : i32
    %dma_wait3A_139 = tpu.memref_slice %arg3[%dma_wait3A_137, %dma_wait3A_138] : memref<100000x128xf32, #tpu.memory_space<hbm>> -> memref<100000x128xf32, #tpu.memory_space<hbm>>
    tpu.wait_indirect_dma semaphore(%arg15 : memref<!tpu.dma_semaphore, #tpu.memory_space<semaphore_mem>>) src(%dma_wait3A_139 : memref<100000x128xf32, #tpu.memory_space<hbm>>) dst(%arg10 : memref<128x128xf32, #tpu.memory_space<vmem>>)
    %dma_start3A_140 = arith.constant 2 : i32
    %dma_start3A_141 = arith.constant 0 : i32
    %dma_start3A_142 = tpu.memref_slice %arg5[%dma_start3A_140, %mul3A_2, %dma_start3A_141] : memref<4x4096x128xf32, #tpu.memory_space<hbm>> -> memref<1x128x128xf32, #tpu.memory_space<hbm>>
    %dma_start3A_143 = tpu.memref_squeeze %dma_start3A_142 : memref<1x128x128xf32, #tpu.memory_space<hbm>> -> memref<128x128xf32, #tpu.memory_space<hbm>>
    %dma_start3A_144 = arith.constant 0 : i32
    %dma_start3A_145 = tpu.memref_slice %arg5[%dma_start3A_140, %mul3A_2, %dma_start3A_144] : memref<4x4096x128xf32, #tpu.memory_space<hbm>> -> memref<1x128x128xf32, #tpu.memory_space<hbm>>
    %dma_start3A_146 = tpu.memref_squeeze %dma_start3A_145 : memref<1x128x128xf32, #tpu.memory_space<hbm>> -> memref<128x128xf32, #tpu.memory_space<hbm>>
    tpu.enqueue_dma source(%arg10 : memref<128x128xf32, #tpu.memory_space<vmem>>) target(%dma_start3A_146 : memref<128x128xf32, #tpu.memory_space<hbm>>) target_semaphore(%arg16 : memref<!tpu.dma_semaphore, #tpu.memory_space<semaphore_mem>>)
    %dma_wait3A_147 = arith.constant 3 : i32
    %dma_wait3A_148 = arith.constant 0 : i32
    %dma_wait3A_149 = tpu.memref_slice %arg6[%dma_wait3A_147, %dma_wait3A_148] : memref<4x128xi32, #tpu.memory_space<vmem>> -> memref<1x128xi32, #tpu.memory_space<vmem>>
    %dma_wait3A_150 = tpu.memref_squeeze %dma_wait3A_149 : memref<1x128xi32, #tpu.memory_space<vmem>> -> memref<128xi32, #tpu.memory_space<vmem>>
    %dma_wait3A_151 = arith.constant 0 : i32
    %dma_wait3A_152 = arith.constant 0 : i32
    %dma_wait3A_153 = tpu.memref_slice %arg3[%dma_wait3A_151, %dma_wait3A_152] : memref<100000x128xf32, #tpu.memory_space<hbm>> -> memref<100000x128xf32, #tpu.memory_space<hbm>>
    tpu.wait_indirect_dma semaphore(%arg15 : memref<!tpu.dma_semaphore, #tpu.memory_space<semaphore_mem>>) src(%dma_wait3A_153 : memref<100000x128xf32, #tpu.memory_space<hbm>>) dst(%arg11 : memref<128x128xf32, #tpu.memory_space<vmem>>)
    %dma_start3A_154 = arith.constant 3 : i32
    %dma_start3A_155 = arith.constant 0 : i32
    %dma_start3A_156 = tpu.memref_slice %arg5[%dma_start3A_154, %mul3A_2, %dma_start3A_155] : memref<4x4096x128xf32, #tpu.memory_space<hbm>> -> memref<1x128x128xf32, #tpu.memory_space<hbm>>
    %dma_start3A_157 = tpu.memref_squeeze %dma_start3A_156 : memref<1x128x128xf32, #tpu.memory_space<hbm>> -> memref<128x128xf32, #tpu.memory_space<hbm>>
    %dma_start3A_158 = arith.constant 0 : i32
    %dma_start3A_159 = tpu.memref_slice %arg5[%dma_start3A_154, %mul3A_2, %dma_start3A_158] : memref<4x4096x128xf32, #tpu.memory_space<hbm>> -> memref<1x128x128xf32, #tpu.memory_space<hbm>>
    %dma_start3A_160 = tpu.memref_squeeze %dma_start3A_159 : memref<1x128x128xf32, #tpu.memory_space<hbm>> -> memref<128x128xf32, #tpu.memory_space<hbm>>
    tpu.enqueue_dma source(%arg11 : memref<128x128xf32, #tpu.memory_space<vmem>>) target(%dma_start3A_160 : memref<128x128xf32, #tpu.memory_space<hbm>>) target_semaphore(%arg16 : memref<!tpu.dma_semaphore, #tpu.memory_space<semaphore_mem>>)
    %dma_wait3A_161 = arith.constant 0 : i32
    %dma_wait3A_162 = arith.constant 0 : i32
    %dma_wait3A_163 = tpu.memref_slice %arg5[%dma_wait3A_161, %mul3A_2, %dma_wait3A_162] : memref<4x4096x128xf32, #tpu.memory_space<hbm>> -> memref<1x128x128xf32, #tpu.memory_space<hbm>>
    %dma_wait3A_164 = tpu.memref_squeeze %dma_wait3A_163 : memref<1x128x128xf32, #tpu.memory_space<hbm>> -> memref<128x128xf32, #tpu.memory_space<hbm>>
    %dma_wait3A_165 = arith.constant 0 : i32
    %dma_wait3A_166 = tpu.memref_slice %arg5[%dma_wait3A_161, %mul3A_2, %dma_wait3A_165] : memref<4x4096x128xf32, #tpu.memory_space<hbm>> -> memref<1x128x128xf32, #tpu.memory_space<hbm>>
    %dma_wait3A_167 = tpu.memref_squeeze %dma_wait3A_166 : memref<1x128x128xf32, #tpu.memory_space<hbm>> -> memref<128x128xf32, #tpu.memory_space<hbm>>
    tpu.wait_dma2 semaphore(%arg16 : memref<!tpu.dma_semaphore, #tpu.memory_space<semaphore_mem>>) src(%arg8 : memref<128x128xf32, #tpu.memory_space<vmem>>) dst(%dma_wait3A_167 : memref<128x128xf32, #tpu.memory_space<hbm>>)
    %dma_wait3A_168 = arith.constant 1 : i32
    %dma_wait3A_169 = arith.constant 0 : i32
    %dma_wait3A_170 = tpu.memref_slice %arg5[%dma_wait3A_168, %mul3A_2, %dma_wait3A_169] : memref<4x4096x128xf32, #tpu.memory_space<hbm>> -> memref<1x128x128xf32, #tpu.memory_space<hbm>>
    %dma_wait3A_171 = tpu.memref_squeeze %dma_wait3A_170 : memref<1x128x128xf32, #tpu.memory_space<hbm>> -> memref<128x128xf32, #tpu.memory_space<hbm>>
    %dma_wait3A_172 = arith.constant 0 : i32
    %dma_wait3A_173 = tpu.memref_slice %arg5[%dma_wait3A_168, %mul3A_2, %dma_wait3A_172] : memref<4x4096x128xf32, #tpu.memory_space<hbm>> -> memref<1x128x128xf32, #tpu.memory_space<hbm>>
    %dma_wait3A_174 = tpu.memref_squeeze %dma_wait3A_173 : memref<1x128x128xf32, #tpu.memory_space<hbm>> -> memref<128x128xf32, #tpu.memory_space<hbm>>
    tpu.wait_dma2 semaphore(%arg16 : memref<!tpu.dma_semaphore, #tpu.memory_space<semaphore_mem>>) src(%arg9 : memref<128x128xf32, #tpu.memory_space<vmem>>) dst(%dma_wait3A_174 : memref<128x128xf32, #tpu.memory_space<hbm>>)
    %dma_wait3A_175 = arith.constant 2 : i32
    %dma_wait3A_176 = arith.constant 0 : i32
    %dma_wait3A_177 = tpu.memref_slice %arg5[%dma_wait3A_175, %mul3A_2, %dma_wait3A_176] : memref<4x4096x128xf32, #tpu.memory_space<hbm>> -> memref<1x128x128xf32, #tpu.memory_space<hbm>>
    %dma_wait3A_178 = tpu.memref_squeeze %dma_wait3A_177 : memref<1x128x128xf32, #tpu.memory_space<hbm>> -> memref<128x128xf32, #tpu.memory_space<hbm>>
    %dma_wait3A_179 = arith.constant 0 : i32
    %dma_wait3A_180 = tpu.memref_slice %arg5[%dma_wait3A_175, %mul3A_2, %dma_wait3A_179] : memref<4x4096x128xf32, #tpu.memory_space<hbm>> -> memref<1x128x128xf32, #tpu.memory_space<hbm>>
    %dma_wait3A_181 = tpu.memref_squeeze %dma_wait3A_180 : memref<1x128x128xf32, #tpu.memory_space<hbm>> -> memref<128x128xf32, #tpu.memory_space<hbm>>
    tpu.wait_dma2 semaphore(%arg16 : memref<!tpu.dma_semaphore, #tpu.memory_space<semaphore_mem>>) src(%arg10 : memref<128x128xf32, #tpu.memory_space<vmem>>) dst(%dma_wait3A_181 : memref<128x128xf32, #tpu.memory_space<hbm>>)
    %dma_wait3A_182 = arith.constant 3 : i32
    %dma_wait3A_183 = arith.constant 0 : i32
    %dma_wait3A_184 = tpu.memref_slice %arg5[%dma_wait3A_182, %mul3A_2, %dma_wait3A_183] : memref<4x4096x128xf32, #tpu.memory_space<hbm>> -> memref<1x128x128xf32, #tpu.memory_space<hbm>>
    %dma_wait3A_185 = tpu.memref_squeeze %dma_wait3A_184 : memref<1x128x128xf32, #tpu.memory_space<hbm>> -> memref<128x128xf32, #tpu.memory_space<hbm>>
    %dma_wait3A_186 = arith.constant 0 : i32
    %dma_wait3A_187 = tpu.memref_slice %arg5[%dma_wait3A_182, %mul3A_2, %dma_wait3A_186] : memref<4x4096x128xf32, #tpu.memory_space<hbm>> -> memref<1x128x128xf32, #tpu.memory_space<hbm>>
    %dma_wait3A_188 = tpu.memref_squeeze %dma_wait3A_187 : memref<1x128x128xf32, #tpu.memory_space<hbm>> -> memref<128x128xf32, #tpu.memory_space<hbm>>
    tpu.wait_dma2 semaphore(%arg16 : memref<!tpu.dma_semaphore, #tpu.memory_space<semaphore_mem>>) src(%arg11 : memref<128x128xf32, #tpu.memory_space<vmem>>) dst(%dma_wait3A_188 : memref<128x128xf32, #tpu.memory_space<hbm>>)
    return
  }
}

</mosaic_0001>

<sc_bundles>
// kernel: kernel.3.cloned.1.call-start
scs
__scs_entry_jumppad:
0x0: {  	(pc) =	sbr.rel $0x88, $3  }
0x1: {  	(tag) =	ssettag $0x0;
	lr =	simm.s32 $0x1  }
0x2: {  	[smem:$0x3F9F] =	sst lr;
	_ =	strace $0xD0000000  }
0x3: {  	_ = 	snop  }
0x4: {  	_ = 	snop  }
0x5: {  	_ = 	snop  }
0x6: {  	_ = 	snop  }
0x7: {  	_ = 	snop  }
__scs_overlays_trampoline_lowered:
0x8: {  	[smem:$0x3FAE] =	sst s0  }
0x9: {  	[smem:$0x3FAF] =	sst s1  }
0xa: {  	[smem:$0x3FB0] =	sst s2  }
0xb: {  	[smem:$0x3FB1] =	sst s3  }
0xc: {  	[smem:$0x3FB2] =	sst s4  }
0xd: {  	[smem:$0x3FB3] =	sst s5  }
0xe: {  	[smem:$0x3FB4] =	sst s6  }
0xf: {  	[smem:$0x3FB5] =	sst s7  }
0x10: {  	[smem:$0x3FB6] =	sst s8  }
0x11: {  	[smem:$0x3FB7] =	sst s9;
	s0 =	simm.s32 @!p0 $0x0  }
0x12: {  	s1 =	sld [smem:$0x3F9D];
	s0 =	simm.s32 @p0 $0x1  }
0x13: {  	[smem:$0x3FB8] =	sst s0;
	s0 =	simm.s32 @!p1 $0x0  }
0x14: {  	s2 =	sld [smem:$0x3F9C];
	s0 =	simm.s32 @p1 $0x1  }
0x15: {  	[smem:$0x3FB9] =	sst s0;
	s0 =	simm.s32 @!p2 $0x0  }
0x16: {  	s3 =	sld [smem:$0x3FDB];
	s0 =	simm.s32 @p2 $0x1  }
0x17: {  	s4 =	simm.s32 $0x1BF5;
	[smem:$0x3FBB] =	sst s0  }
0x18: {  	s0 =	sld [smem:$0x3F9E];
	_ =	swait.ge [sflag:s4], $0x0  }
0x19: {  	s7 =	sld [smem:$0x3F9F]  }
0x1a: {  	s8 =	sadd.s32 $0xFFFFE003, lr  }
0x1b: {  	s9 =	sadd.s32 $0xFFFFFEF7, lr;
	s5 =	simm.s32 $0xFFFFFFFF;
	p2 =	slt.u32 s8, $0xFFFFF086  }
0x1c: {  	p1 =	slt.u32 s9, $0xF7A;
	s5 =	simm.s32 @!p2 $0x0  }
0x1d: {  	s5 =	simm.s32 @p1 $0x1;
	p0 =	seq.s32 s7, s2  }
0x1e: {  	s7 =	smul.u32 @!p0 $0xF7A, s2;
	p2 =	seq.s32 @!p0 s5, $0x0  }
0x1f: {  	s9 =	smul.u32 $0xF7A, s1;
	s8 =	simm.s32 @!p0 $0x1BF5;
	p2 =	por !p2, p0  }
0x20: {  	[sflag:s8] =	ssyncset.s32 @!p0 $0xFFFFF086;
	s6 =	sadd.s32 @!p0 s3, s7;
	s7 =	simm.s32 @!p0 $0x108  }
0x21: {  	s3 =	sadd.s32 s3, s9;
	s6 =	sadd.s32 @!p0 $0x88, s6;
	s7 =	simm.s32 @p2 $0x1082  }
0x22: {  	[simem:s7], [sflag:s8] =	dma.local @!p0 [hbm:s6], $0xF7A  }
0x23: {  	s9 =	sor.u32 $0xD0000000, s2;
	s6 =	simm.s32 $0x108;
	_ =	swait.ge @!p0 [sflag:s8], $0x0  }
0x24: {  	s3 =	sadd.s32 $0x88, s3;
	s6 =	simm.s32 @!p1 $0x1082;
	[sflag:s4] =	ssyncset.s32 $0xFFFFF086  }
0x25: {  	[simem:s6], [sflag:s4] =	dma.local [hbm:s3], $0xF7A  }
0x26: {  	[smem:$0x3F9F] =	sst s1;
	(tag) =	ssettag s2;
	_ =	strace s9  }
0x27: {  	s1 =	sld [smem:$0x3FAF]  }
0x28: {  	s2 =	sld [smem:$0x3FB0]  }
0x29: {  	s4 =	sld [smem:$0x3FB2]  }
0x2a: {  	p0 =	seq.s32 s5, $0x0;
	s5 =	sld [smem:$0x3FB3]  }
0x2b: {  	s6 =	sld [smem:$0x3FB4]  }
0x2c: {  	s7 =	sld [smem:$0x3FB5]  }
0x2d: {  	s3 =	simm.s32 $0x108;
	s8 =	sld [smem:$0x3FB6]  }
0x2e: {  	s3 =	simm.s32 @!p0 $0x1082;
	s9 =	sld [smem:$0x3FB7]  }
0x2f: {  	lr =	sadd.s32 s0, s3;
	s0 =	sld [smem:$0x3FAE]  }
0x30: {  	s3 =	sld [smem:$0x3FB1]  }
0x31: {  	[smem:$0x3FBA] =	sst s10  }
0x32: {  	s10 =	sld [smem:$0x3FB8];
	_ =	sdelay $0x3  }
0x33: {  	p0 =	seq.s32 s10, $0x1;
	s10 =	sld [smem:$0x3FBA];
	_ =	sdelay $0x3  }
0x34: {  	[smem:$0x3FBA] =	sst s10  }
0x35: {  	s10 =	sld [smem:$0x3FB9];
	_ =	sdelay $0x3  }
0x36: {  	p1 =	seq.s32 s10, $0x1;
	s10 =	sld [smem:$0x3FBA];
	_ =	sdelay $0x3  }
0x37: {  	[smem:$0x3FBA] =	sst s10  }
0x38: {  	s10 =	sld [smem:$0x3FBB]  }
0x39: {  	_ = 	snop;
	(pc) =	sbr.ind lr, $3  }
0x3a: {  	_ = 	snop  }
0x3b: {  	_ = 	snop  }
0x3c: {  	p2 =	seq.s32 s10, $0x1;
	s10 =	sld [smem:$0x3FBA]  }
0x3d: {  	_ =	shalt  }
0x3e: {  	_ =	shalt  }
0x3f: {  	_ =	shalt  }
0x40: {  	_ =	shalt  }
0x41: {  	_ =	shalt  }
0x42: {  	_ =	shalt  }
0x43: {  	_ =	shalt  }
0x44: {  	_ =	shalt  }
0x45: {  	_ =	shalt  }
0x46: {  	_ =	shalt  }
0x47: {  	_ =	shalt  }
0x48: {  	_ =	shalt  }
0x49: {  	_ =	shalt  }
0x4a: {  	_ =	shalt  }
0x4b: {  	_ =	shalt  }
0x4c: {  	_ =	shalt  }
0x4d: {  	_ =	shalt  }
0x4e: {  	_ =	shalt  }
0x4f: {  	_ =	shalt  }
0x50: {  	_ =	shalt  }
0x51: {  	_ =	shalt  }
0x52: {  	_ =	shalt  }
0x53: {  	_ =	shalt  }
0x54: {  	_ =	shalt  }
0x55: {  	_ =	shalt  }
0x56: {  	_ =	shalt  }
0x57: {  	_ =	shalt  }
0x58: {  	_ =	shalt  }
0x59: {  	_ =	shalt  }
0x5a: {  	_ =	shalt  }
0x5b: {  	_ =	shalt  }
0x5c: {  	_ =	shalt  }
0x5d: {  	_ =	shalt  }
0x5e: {  	_ =	shalt  }
0x5f: {  	_ =	shalt  }
0x60: {  	_ =	shalt  }
0x61: {  	_ =	shalt  }
0x62: {  	_ =	shalt  }
0x63: {  	_ =	shalt  }
0x64: {  	_ =	shalt  }
0x65: {  	_ =	shalt  }
0x66: {  	_ =	shalt  }
0x67: {  	_ =	shalt  }
0x68: {  	_ =	shalt  }
0x69: {  	_ =	shalt  }
0x6a: {  	_ =	shalt  }
0x6b: {  	_ =	shalt  }
0x6c: {  	_ =	shalt  }
0x6d: {  	_ =	shalt  }
0x6e: {  	_ =	shalt  }
0x6f: {  	_ =	shalt  }
0x70: {  	_ =	shalt  }
0x71: {  	_ =	shalt  }
0x72: {  	_ =	shalt  }
0x73: {  	_ =	shalt  }
0x74: {  	_ =	shalt  }
0x75: {  	_ =	shalt  }
0x76: {  	_ =	shalt  }
0x77: {  	_ =	shalt  }
0x78: {  	_ =	shalt  }
0x79: {  	_ =	shalt  }
0x7a: {  	_ =	shalt  }
0x7b: {  	_ =	shalt  }
0x7c: {  	_ =	shalt  }
0x7d: {  	_ =	shalt  }
0x7e: {  	_ =	shalt  }
0x7f: {  	_ =	shalt  }
0x80: {  	_ =	shalt  }
0x81: {  	_ =	shalt  }
0x82: {  	_ =	shalt  }
0x83: {  	_ =	shalt  }
0x84: {  	_ =	shalt  }
0x85: {  	_ =	shalt  }
0x86: {  	_ =	shalt  }
0x87: {  	_ =	shalt  }
.Lfunc_end0:
.L_simem_size_0:
called_computation_lowered:
.L_overlay_start_0:
0x88: {  	s2 =	sld [smem:$0x3FD9]  }
0x89: {  	s3 =	sld [smem:$0x3FFE];
	_ =	sdelay $0x1  }
0x8a: {  	s1 =	srdreg.scid  }
0x8b: {  	s0 =	sand.u32 $0x1, s1  }
0x8c: {  	s17 =	sshll.u32 s0, $0xA;
	s2 =	sadd.s32 s3, s2  }
0x8d: {  	s2 =	sadd.s32 s2, s17  }
0x8e: {  	[smem:$0x3FC6] =	sst s2  }
0x8f: {  	_ = 	snop  }
0x90: {  	s2 =	sld [smem:$0x3FC9]  }
0x91: {  	s18 =	sld [smem:$0x3FC8]  }
0x92: {  	s4 =	sld [smem:$0x3FD0];
	(tm) =	ssettm $0x1  }
0x93: {  	s5 =	sld [smem:$0x3FFB];
	_ =	sdelay $0x3  }
0x94: {  	_ =	strace s5  }
0x95: {  	s5 =	sld [smem:$0x3FFC];
	_ =	sdelay $0x3  }
0x96: {  	_ =	strace s5  }
0x97: {  	s5 =	sld [smem:$0x3FFD];
	_ =	sdelay $0x3  }
0x98: {  	_ =	strace s5  }
0x99: {  	_ =	strace $0x8FFFFFFF  }
0x9a: {  	s19 =	sld [smem:$0x3FDB];
	_ =	sdelay $0x1  }
0x9b: {  	s6 =	simm.s32 $_scs_section_size  }
0x9c: {  	s7 =	simm.s32 $_size__tile_overlayer_lowered;
	s8 =	simm.s32 $_tile_overlayer_lowered  }
0x9d: {  	s22 =	simm.s32 $0x1BFF;
	s21 =	sshll.u32 s8, $0x1;
	s5 =	sadd.s32 s6, s19  }
0x9e: {  	s9 =	simm.s32 $0x0;
	s20 =	sshll.u32 s7, $0x1;
	s7 =	sadd.s32 s21, s5  }
0x9f: {  	[timem:s9], [sflag:s22] =	dma.local [hbm:s7], s20  }
0xa0: {  	_ =	swait.ge [sflag:s22], s20  }
0xa1: {  	s6 =	ssub.s32 $0x0, s20;
	[sflag:s22] =	ssyncset.done $0x0  }
0xa2: {  	[sflag:s22] =	ssyncadd.s32 s6;
	_ =	sdelay $0x1  }
0xa3: {  	s23 =	simm.s32 $0x1B8B  }
0xa4: {  	_ =	swait.ge [sflag:s23], $0x1  }
0xa5: {  	[sflag:s23] =	ssyncset.done $0x0  }
0xa6: {  	s25 =	simm.s32 $0x1B8E;
	s24 =	sld [smem:$0x3FFE];
	[sflag:s23] =	ssyncadd.s32 $0xFFFFFFFF  }
0xa7: {  	s26 =	simm.s32 $execute0_lowered;
	[smem:$0x3FD2] =	sst s25  }
0xa8: {  	s7 =	sshll.u32 s26, $0x1;
	_ =	strace $0x80000046;
	[dreg:$0x1] =	wrdreg $0xFFFFFFFF  }
0xa9: {  	s28 =	simm.s32 $_size_execute0_lowered;
	s5 =	sadd.s32 s5, s7;
	[dreg:$0x0] =	wrdreg $0x0  }
0xaa: {  	s7 =	sshll.u32 s28, $0x1;
	[dreg:$0x2] =	wrdreg s5  }
0xab: {  	[dreg:$0x3] =	wrdreg s7  }
0xac: {  	[dreg:$0x4] =	wrdreg $0xC0  }
0xad: {  	_ =	task [dreg:s9], $0x5FFFF  }
0xae: {  	[dreg:$0x1] =	wrdreg $0xFFFFFFFF  }
0xaf: {  	[dreg:$0x0] =	wrdreg $0x60  }
0xb0: {  	[dreg:$0x2] =	wrdreg s2  }
0xb1: {  	[dreg:$0x3] =	wrdreg s18  }
0xb2: {  	[dreg:$0x4] =	wrdreg s24  }
0xb3: {  	[dreg:$0x5] =	wrdreg s4  }
0xb4: {  	[dreg:$0x6] =	wrdreg $0x2000  }
0xb5: {  	[dreg:$0x7] =	wrdreg $0x9  }
0xb6: {  	_ =	task.clear_ibuf [dreg:s9], $0x8FFFF;
	_ =	strace $0x90000046  }
0xb7: {  	s29 =	simm.s32 $0x9;
	_ =	strace $0x80000048  }
0xb8: {  	_ =	swait.ge [sflag:s29], $0x1  }
0xb9: {  	[sflag:s29] =	ssyncadd.s32 $0xFFFFFFFF  }
0xba: {  	_ =	strace $0x90000048  }
0xbb: {  	_ =	sfence  }
0xbc: {  	s30 =	sld [smem:$0x0];
	_ =	sdelay $0x2  }
0xbd: {  	s31 =	sshll.u32 s1, $0xD;
	s1 =	sshrl.u32 s1, $0x2  }
0xbe: {  	s3 =	sand.u32 $0x4000, s31;
	s1 =	sadd.s32 s1, s30  }
0xbf: {  	s0 =	sor.u32 s3, s0;
	s1 =	sshll.u32 s1, $0x11  }
0xc0: {  	s0 =	sor.u32 s1, s0  }
0xc1: {  	s0 =	sadd.s32 $0x8F2B, s0  }
0xc2: {  	[sflag:s0] =	ssyncadd.remote.s32 $0x1  }
0xc3: {  	_ =	sfence.sel $0xFFFF  }
0xc4: {  	[dreg:$0x0] =	wrdreg $0xFFFFFFFF;
	(pc) =	sbr.abs _section_cstart, $3  }
0xc5: {  	[dreg:$0x1] =	wrdreg $0xFFFFFFFF  }
0xc6: {  	_ =	task.clear_ibuf [dreg:s9], $0x2FFFF;
	_ =	strace $0x9FFFFFFF  }
0xc7: {  	(tm) =	ssettm $0x7FFFFFFF  }
tec
execute0_lowered:
.L_overlay_start_1:
0x0: {  	(tag) =	ssettag $0x1  }
0x1: {  	s7 =	rddreg [dreg:$0x0]  }
0x2: {  	s1 =	rddreg [dreg:$0x1]  }
0x3: {  	s2 =	srdreg.scid;
	s4 =	rddreg [dreg:$0x2]  }
0x4: {  	s0 =	stileid.u32;
	s20 =	rddreg [dreg:$0x3]  }
0x5: {  	s5 =	rddreg [dreg:$0x4];
	s25 =	sand.u32 $0x1, s2;
	s31 =	sshll.u32 s0, $0x8  }
0x6: {  	s2 =	rddreg [dreg:$0x5];
	s8 =	sshll.u32 s0, $0xE;
	s3 =	sshll.u32 s25, $0x7  }
0x7: {  	s9 =	sshll.u32 s0, $0x6;
	s5 =	sadd.s32 s8, s5;
	s6 =	sor.u32 s3, s31  }
0x8: {  	s8 =	simm.s32 $0x4200;
	s3 =	simm.s32 $0x0;
	s21 =	sshll.u32 s6, $0x4  }
0x9: {  	[smem:$0x7FF] =	sst s3;
	s10 =	sshrl.u32 s6, $0x1;
	s6 =	sor.u32 $0x1C02, s9  }
0xa: {  	s9 =	sshrl.u32 s5, $0x3;
	s4 =	sadd.s32 s21, s4;
	_ =	strace $0x80000047  }
0xb: {  	s7 =	sadd.s32 s7, s10;
	s10 =	simm.s32 $0x2;
	s4 =	sadd.s32 $0x400, s4  }
0xc: {  	[tilespmem:s8], [sflag:$0x3] =	stream.linear.gather [hbm4b:s4+s3], $0x4000, $0x38;
	[tilespmem:$0x14200] =	vst v63  }
0xd: {  	[spmem:s9], [sflag:s6] =	dma.local [hbm:s4], $0x800  }
0xe: {  	[tilespmem:s3], [sflag:$0x1] =	stream.linear.gather [hbm4b:s7+s3], $0x200, $0x38;
	[tilespmem:$0x14200] =	vst v63  }
0xf: {  	_ =	swait.ge [sflag:s10], $0x800  }
0x10: {  	[sflag:s10] =	ssyncset.done $0x0  }
0x11: {  	s11 =	simm.s32 $0x8200;
	[sflag:s10] =	ssyncadd.s32 $0xFFFFF800  }
0x12: {  	[tilespmem:s11], [sflag:$0x2] =	stream.linear.gather [spmem:s5], $0x4000, $0x38;
	[tilespmem:$0x14200] =	vst v63  }
0x13: {  	s12 =	simm.s32 $0xC200  }
0x14: {  	[tilespmem:s12], [sflag:$0x2] =	stream.linear.gather [spmem:s5], $0x4000, $0x38;
	[tilespmem:$0x14200] =	vst v63  }
0x15: {  	s13 =	simm.s32 $0x10200;
	s14 =	simm.s32 $0x1  }
0x16: {  	[tilespmem:s13], [sflag:$0x2] =	stream.linear.gather [spmem:s5], $0x4000, $0x38;
	[tilespmem:$0x14200] =	vst v63  }
0x17: {  	_ =	swait.ge [sflag:s14], $0x200  }
0x18: {  	[sflag:s14] =	ssyncset.done $0x0  }
0x19: {  	s15 =	simm.s32 $0x3;
	[sflag:s14] =	ssyncadd.s32 $0xFFFFFE00  }
0x1a: {  	_ =	swait.ge [sflag:s15], $0x4000  }
0x1b: {  	[sflag:s15] =	ssyncset.done $0x0  }
0x1c: {  	s16 =	simm.s32 $0x80;
	[sflag:s15] =	ssyncadd.s32 $0xFFFFC000  }
0x1d: {  	[tilespmem:s8], [sflag:$0x4] =	stream.indirect.gather.add.f32 [hbm:s1], $0x80, s3, s16, $0xb8;
	[tilespmem:$0x14200] =	vst v63  }
0x1e: {  	_ =	swait.ge [sflag:s10], $0x4000  }
0x1f: {  	[sflag:s10] =	ssyncset.done $0x0  }
0x20: {  	[sflag:s10] =	ssyncadd.s32 $0xFFFFC000  }
0x21: {  	[tilespmem:s11], [sflag:$0x4] =	stream.indirect.gather.add.f32 [hbm:s1], $0x80, s16, s16, $0xb8;
	[tilespmem:$0x14200] =	vst v63  }
0x22: {  	_ =	swait.ge [sflag:s10], $0x4000  }
0x23: {  	[sflag:s10] =	ssyncset.done $0x0  }
0x24: {  	s17 =	simm.s32 $0x100;
	[sflag:s10] =	ssyncadd.s32 $0xFFFFC000  }
0x25: {  	[tilespmem:s12], [sflag:$0x4] =	stream.indirect.gather.add.f32 [hbm:s1], $0x80, s17, s16, $0xb8;
	[tilespmem:$0x14200] =	vst v63  }
0x26: {  	_ =	swait.ge [sflag:s10], $0x4000  }
0x27: {  	[sflag:s10] =	ssyncset.done $0x0  }
0x28: {  	s18 =	simm.s32 $0x180;
	s19 =	simm.s32 $0x4;
	[sflag:s10] =	ssyncadd.s32 $0xFFFFC000  }
0x29: {  	[tilespmem:s13], [sflag:$0x4] =	stream.indirect.gather.add.f32 [hbm:s1], $0x80, s18, s16, $0xb8;
	[tilespmem:$0x14200] =	vst v63  }
0x2a: {  	_ =	swait.ge [sflag:s19], $0x4000  }
0x2b: {  	[sflag:s19] =	ssyncset.done $0x0  }
0x2c: {  	s20 =	sadd.s32 s20, s21;
	[sflag:s19] =	ssyncadd.s32 $0xFFFFC000  }
0x2d: {  	[hbm4b:s20+s3] =	stream.linear.scatter [tilespmem:s8], [sflag:$0x5], $0x4000, $0x38;
	[tilespmem:$0x14200] =	vst v63  }
0x2e: {  	_ =	swait.ge [sflag:s19], $0x4000  }
0x2f: {  	[sflag:s19] =	ssyncset.done $0x0  }
0x30: {  	s21 =	sadd.s32 $0x10000, s20;
	[sflag:s19] =	ssyncadd.s32 $0xFFFFC000  }
0x31: {  	[hbm4b:s21+s3] =	stream.linear.scatter [tilespmem:s11], [sflag:$0x5], $0x4000, $0x38;
	[tilespmem:$0x14200] =	vst v63  }
0x32: {  	_ =	swait.ge [sflag:s19], $0x4000  }
0x33: {  	[sflag:s19] =	ssyncset.done $0x0  }
0x34: {  	s22 =	sadd.s32 $0x20000, s20;
	[sflag:s19] =	ssyncadd.s32 $0xFFFFC000  }
0x35: {  	[hbm4b:s22+s3] =	stream.linear.scatter [tilespmem:s12], [sflag:$0x5], $0x4000, $0x38;
	[tilespmem:$0x14200] =	vst v63  }
0x36: {  	_ =	swait.ge [sflag:s19], $0x4000  }
0x37: {  	[sflag:s19] =	ssyncset.done $0x0  }
0x38: {  	s23 =	simm.s32 $0x5;
	s24 =	sadd.s32 $0x30000, s20;
	[sflag:s19] =	ssyncadd.s32 $0xFFFFC000  }
0x39: {  	[hbm4b:s24+s3] =	stream.linear.scatter [tilespmem:s13], [sflag:$0x5], $0x4000, $0x38;
	[tilespmem:$0x14200] =	vst v63  }
0x3a: {  	_ =	swait.ge [sflag:s23], $0x4000  }
0x3b: {  	s25 =	ssub.s32 $0x2, s25;
	[sflag:s23] =	ssyncset.done $0x0  }
0x3c: {  	s26 =	sshrl.u32 s25, $0x1;
	[sflag:s23] =	ssyncadd.s32 $0xFFFFC000  }
0x3d: {  	s25 =	ssub.s32 s25, s26;
	_ =	swait.ge [sflag:s23], $0x4000  }
0x3e: {  	s25 =	smax.u32 s25, $0x1;
	[sflag:s23] =	ssyncset.done $0x0  }
0x3f: {  	p0 =	sne.s32 s25, $0x1;
	[sflag:s23] =	ssyncadd.s32 $0xFFFFC000  }
.Ltmp0:
0x40: {  	_ =	swait.ge [sflag:s23], $0x4000;
	(pc) =	sbr.rel @!p0 .LBB2_2-.Ltmp0, $4  }
0x41: {  	[sflag:s23] =	ssyncset.done $0x0  }
0x42: {  	[sflag:s23] =	ssyncadd.s32 $0xFFFFC000  }
0x43: {  	_ =	swait.ge [sflag:s23], $0x4000  }
0x44: {  	s25 =	sadd.s32 $0xFFFFFFFF, s25;
	[sflag:s23] =	ssyncset.done $0x0  }
.LBB2_1:
0x45: {  	p0 =	sne.s32 s25, $0x1;
	s25 =	sadd.s32 $0xFFFFFFFF, s25;
	[sflag:s23] =	ssyncadd.s32 $0xFFFFC000  }
0x46: {  	[tilespmem:s8], [sflag:$0x3] =	stream.linear.gather [hbm4b:s4+s3], $0x4000, $0x38;
	[tilespmem:$0x14200] =	vst v63  }
0x47: {  	[spmem:s9], [sflag:s6] =	dma.local [hbm:s4], $0x800  }
0x48: {  	[tilespmem:s3], [sflag:$0x1] =	stream.linear.gather [hbm4b:s7+s3], $0x200, $0x38;
	[tilespmem:$0x14200] =	vst v63  }
0x49: {  	_ =	swait.ge [sflag:s10], $0x800  }
0x4a: {  	[sflag:s10] =	ssyncset.done $0x0  }
0x4b: {  	[sflag:s10] =	ssyncadd.s32 $0xFFFFF800  }
0x4c: {  	[tilespmem:s11], [sflag:$0x2] =	stream.linear.gather [spmem:s5], $0x4000, $0x38;
	[tilespmem:$0x14200] =	vst v63  }
0x4d: {  	_ = 	snop  }
0x4e: {  	[tilespmem:s12], [sflag:$0x2] =	stream.linear.gather [spmem:s5], $0x4000, $0x38;
	[tilespmem:$0x14200] =	vst v63  }
0x4f: {  	_ = 	snop  }
0x50: {  	[tilespmem:s13], [sflag:$0x2] =	stream.linear.gather [spmem:s5], $0x4000, $0x38;
	[tilespmem:$0x14200] =	vst v63  }
0x51: {  	_ =	swait.ge [sflag:s14], $0x200  }
0x52: {  	[sflag:s14] =	ssyncset.done $0x0  }
0x53: {  	[sflag:s14] =	ssyncadd.s32 $0xFFFFFE00  }
0x54: {  	_ =	swait.ge [sflag:s15], $0x4000  }
0x55: {  	[sflag:s15] =	ssyncset.done $0x0  }
0x56: {  	[sflag:s15] =	ssyncadd.s32 $0xFFFFC000  }
0x57: {  	[tilespmem:s8], [sflag:$0x4] =	stream.indirect.gather.add.f32 [hbm:s1], $0x80, s3, s16, $0xb8;
	[tilespmem:$0x14200] =	vst v63  }
0x58: {  	_ =	swait.ge [sflag:s10], $0x4000  }
0x59: {  	[sflag:s10] =	ssyncset.done $0x0  }
0x5a: {  	[sflag:s10] =	ssyncadd.s32 $0xFFFFC000  }
0x5b: {  	[tilespmem:s11], [sflag:$0x4] =	stream.indirect.gather.add.f32 [hbm:s1], $0x80, s16, s16, $0xb8;
	[tilespmem:$0x14200] =	vst v63  }
0x5c: {  	_ =	swait.ge [sflag:s10], $0x4000  }
0x5d: {  	[sflag:s10] =	ssyncset.done $0x0  }
0x5e: {  	[sflag:s10] =	ssyncadd.s32 $0xFFFFC000  }
0x5f: {  	[tilespmem:s12], [sflag:$0x4] =	stream.indirect.gather.add.f32 [hbm:s1], $0x80, s17, s16, $0xb8;
	[tilespmem:$0x14200] =	vst v63  }
0x60: {  	_ =	swait.ge [sflag:s10], $0x4000  }
0x61: {  	[sflag:s10] =	ssyncset.done $0x0  }
0x62: {  	[sflag:s10] =	ssyncadd.s32 $0xFFFFC000  }
0x63: {  	[tilespmem:s13], [sflag:$0x4] =	stream.indirect.gather.add.f32 [hbm:s1], $0x80, s18, s16, $0xb8;
	[tilespmem:$0x14200] =	vst v63  }
0x64: {  	_ =	swait.ge [sflag:s19], $0x4000  }
0x65: {  	[sflag:s19] =	ssyncset.done $0x0  }
0x66: {  	[sflag:s19] =	ssyncadd.s32 $0xFFFFC000  }
0x67: {  	[hbm4b:s20+s3] =	stream.linear.scatter [tilespmem:s8], [sflag:$0x5], $0x4000, $0x38;
	[tilespmem:$0x14200] =	vst v63  }
0x68: {  	_ =	swait.ge [sflag:s19], $0x4000  }
0x69: {  	[sflag:s19] =	ssyncset.done $0x0  }
0x6a: {  	[sflag:s19] =	ssyncadd.s32 $0xFFFFC000  }
0x6b: {  	[hbm4b:s21+s3] =	stream.linear.scatter [tilespmem:s11], [sflag:$0x5], $0x4000, $0x38;
	[tilespmem:$0x14200] =	vst v63  }
0x6c: {  	_ =	swait.ge [sflag:s19], $0x4000  }
0x6d: {  	[sflag:s19] =	ssyncset.done $0x0  }
0x6e: {  	[sflag:s19] =	ssyncadd.s32 $0xFFFFC000  }
0x6f: {  	[hbm4b:s22+s3] =	stream.linear.scatter [tilespmem:s12], [sflag:$0x5], $0x4000, $0x38;
	[tilespmem:$0x14200] =	vst v63  }
0x70: {  	_ =	swait.ge [sflag:s19], $0x4000  }
0x71: {  	[sflag:s19] =	ssyncset.done $0x0  }
0x72: {  	[sflag:s19] =	ssyncadd.s32 $0xFFFFC000  }
0x73: {  	[hbm4b:s24+s3] =	stream.linear.scatter [tilespmem:s13], [sflag:$0x5], $0x4000, $0x38;
	[tilespmem:$0x14200] =	vst v63  }
0x74: {  	_ =	swait.ge [sflag:s23], $0x4000  }
0x75: {  	[sflag:s23] =	ssyncset.done $0x0  }
0x76: {  	[sflag:s23] =	ssyncadd.s32 $0xFFFFC000  }
0x77: {  	_ =	swait.ge [sflag:s23], $0x4000  }
0x78: {  	[sflag:s23] =	ssyncset.done $0x0  }
0x79: {  	[sflag:s23] =	ssyncadd.s32 $0xFFFFC000  }
.Ltmp1:
0x7a: {  	_ =	swait.ge [sflag:s23], $0x4000;
	(pc) =	sbr.rel @p0 .LBB2_1-.Ltmp1, $4  }
0x7b: {  	[sflag:s23] =	ssyncset.done $0x0  }
0x7c: {  	[sflag:s23] =	ssyncadd.s32 $0xFFFFC000  }
0x7d: {  	_ =	swait.ge [sflag:s23], $0x4000  }
0x7e: {  	[sflag:s23] =	ssyncset.done $0x0  }
.LBB2_2:
0x7f: {  	[sflag:s23] =	ssyncadd.s32 $0xFFFFC000  }
0x80: {  	_ =	sfence.sel $0x180000  }
0x81: {  	[bflag:$0x0] =	sbarrier.arrive $0xFFFF  }
0x82: {  	p0 =	sne.s32 s0, $0x0;
	_ =	strace $0x90000047  }
0x83: {  	s0 =	sadd.s32 @!p0 $0x100000, s2;
	[bflag:$0x2] =	sbarrier.arrive $0xFFFF  }
0x84: {  	[sflag:s0] =	ssyncadd.tile.s32 @!p0 $0x1;
	_ =	shalt  }
.Lfunc_end2:
_tile_overlayer_lowered:
.L_overlay_start_2:
0x85: {  	(tag) =	ssettag $0x2  }
0x86: {  	s0 =	rddreg [dreg:$0x0];
	s2 =	stileid.u32  }
0x87: {  	s1 =	rddreg [dreg:$0x1];
	p0 =	sne.s32 s2, $0x0  }
0x88: {  	s3 =	rddreg [dreg:$0x2];
	[bflag:$0x3] =	sbarrier.arrive $0xFFFF;
	s2 =	simm.s32 @!p0 $0x1C06  }
0x89: {  	[timem:s3], [sflag:s2] =	dma.local @!p0 [hbm:s0], s1  }
0x8a: {  	s0 =	simm.s32 @!p0 $0x6  }
0x8b: {  	_ =	swait.ge @!p0 [sflag:s0], s1  }
0x8c: {  	s1 =	ssub.s32 @!p0 $0x0, s1;
	[sflag:s0] =	ssyncset.done @!p0 $0x0  }
0x8d: {  	[sflag:s0] =	ssyncadd.s32 @!p0 s1  }
0x8e: {  	[bflag:$0x3] =	sbarrier.arrive $0xFFFF  }
0x8f: {  	_ =	shalt  }

</sc_bundles>
